<compile_context>
chip_gen: v7x
topology: tpu7x:2x2x1
jax: 0.10.2.dev20260603
libtpu: 0.0.44.dev20260713+nightly
codegen_flags: <defaults>
</compile_context>

<pallas_src>
import jax
import jax.numpy as jnp
from jax import lax
from jax.experimental import pallas as pl
from jax.experimental.pallas import tpu as pltpu
from jax.experimental.pallas import tpu_sc as plsc

N = 50000
E = 800000
D = 64
HD = D // 2

NC, NS = 2, 16
NW = NC * NS

ACC_ROWS = 51200
DUMP = N
EPAD = 16 * ACC_ROWS
EW = EPAD // NS
HW = EPAD // NW
CH = 1024
CC = 256
SUB = CC // 128
NCH = EW // CC
ZR = ACC_ROWS // NS
NG = EPAD // CC
NCHUNK_HIST = HW // CH

NP = ACC_ROWS
BN = 2048
GRID_N = NP // BN

import functools


@functools.lru_cache(maxsize=1)
def _mesh():
    return plsc.VectorSubcoreMesh(core_axis_name="c", subcore_axis_name="s")


_SC_PARAMS = pltpu.CompilerParams(needs_layout_passes=False,
                                 use_tc_tiling_on_sc=False)


def _hist_body(dst_hbm, hist_hbm, dv, hist_v):
    k = lax.axis_index("c")
    s = lax.axis_index("s")
    wid = k * NS + s

    @pl.loop(0, ACC_ROWS, step=16)
    def _(i):
        hist_v[pl.ds(i, 16)] = jnp.zeros((16,), jnp.float32)

    base = wid * HW

    @pl.loop(0, NCHUNK_HIST)
    def _(c):
        pltpu.sync_copy(dst_hbm.at[pl.ds(base + c * CH, CH)], dv)

        @pl.loop(0, CH, step=16)
        def _(i):
            plsc.addupdate_scatter(hist_v, [dv[pl.ds(i, 16)]],
                                   jnp.ones((16,), jnp.float32))

    pltpu.sync_copy(hist_v, hist_hbm.at[wid])


@jax.jit
def _sc_hist(dstp):
    kern = pl.kernel(
        _hist_body,
        out_type=jax.ShapeDtypeStruct((NW, ACC_ROWS), jnp.float32),
        mesh=_mesh(),
        scratch_types=[
            pltpu.VMEM((CH,), jnp.int32),
            pltpu.VMEM((ACC_ROWS,), jnp.float32),
        ],
        compiler_params=_SC_PARAMS,
    )
    return kern(dstp)


def _conv_body(y_hbm, pk_hbm, zero_hbm, acc_hbm,
               pvA, pvB, pvC, pvD, rowsA, rowsB, lsem, gsem, ssem, acc_sh):
    k = lax.axis_index("c")
    s = lax.axis_index("s")
    gbase = s * NCH
    pk_k = pk_hbm.at[k]

    pltpu.sync_copy(zero_hbm, acc_sh.at[pl.ds(s * ZR, ZR)])
    plsc.subcore_barrier()

    pvs = (pvA, pvB, pvC, pvD)
    rws = (rowsA, rowsB)

    pltpu.async_copy(pk_k.at[pl.ds(gbase * 4, 4)], pvA, lsem)

    def do_chunk(c, m4, drain, guard):
        pv, rows = pvs[m4], rws[m4 % 2]
        pltpu.make_async_copy(pk_k.at[pl.ds(0, 4)], pv, lsem).wait()

        def prefetch():
            pltpu.async_copy(pk_k.at[pl.ds((gbase + c + 1) * 4, 4)],
                             pvs[(m4 + 1) % 4], lsem)
        if guard is None:
            prefetch()
        else:
            pl.when(guard)(prefetch)

        if drain:
            pltpu.make_async_copy(y_hbm.at[pl.ds(0, CC)], rows, ssem).wait()

        cps = [pltpu.async_copy(y_hbm.at[pv.at[j]],
                                rows.at[pl.ds(j * 128, 128)], gsem)
               for j in range(SUB)]
        for cp in cps:
            cp.wait()
        for j in range(SUB):
            pltpu.async_copy(rows.at[pl.ds(j * 128, 128)],
                             acc_sh.at[pv.at[SUB + j]], ssem, add=True)

    for c in range(4):
        do_chunk(c, c, drain=(c >= 2), guard=None)

    @pl.loop(0, (NCH - 4) // 4)
    def _(t):
        for u in range(4):
            c = 4 + t * 4 + u
            do_chunk(c, u, drain=True,
                     guard=(c + 1 < NCH) if u == 3 else None)

    pltpu.make_async_copy(y_hbm.at[pl.ds(0, CC)], rowsA, ssem).wait()
    pltpu.make_async_copy(y_hbm.at[pl.ds(0, CC)], rowsB, ssem).wait()
    plsc.subcore_barrier()

    pltpu.sync_copy(acc_sh.at[pl.ds(s * ZR, ZR)],
                    acc_hbm.at[k].at[pl.ds(s * ZR, ZR)])


@jax.jit
def _sc_conv(yv, pk, zblk):
    kern = pl.kernel(
        _conv_body,
        out_type=jax.ShapeDtypeStruct((NC, ACC_ROWS, HD), jnp.float32),
        mesh=_mesh(),
        scratch_types=[
            pltpu.VMEM((4, 128), jnp.int32),
            pltpu.VMEM((4, 128), jnp.int32),
            pltpu.VMEM((4, 128), jnp.int32),
            pltpu.VMEM((4, 128), jnp.int32),
            pltpu.VMEM((CC, HD), jnp.float32),
            pltpu.VMEM((CC, HD), jnp.float32),
            pltpu.SemaphoreType.DMA,
            pltpu.SemaphoreType.DMA,
            pltpu.SemaphoreType.DMA,
            pltpu.VMEM_SHARED((ACC_ROWS, HD), jnp.float32),
        ],
        compiler_params=_SC_PARAMS,
    )
    return kern(yv, pk, zblk)


def _prep_body(hist_ref, x_ref, src_ref, dst_ref, y_ref, d_ref, g_ref):
    h = hist_ref[...]
    deg = jnp.sum(h, axis=0, keepdims=True)
    dinv = jnp.where(deg > 0, lax.rsqrt(deg), 0.0)
    dcol = jnp.transpose(dinv, (1, 0))
    d_ref[...] = dcol
    x = x_ref[...]
    odd = pl.program_id(0) % 2 == 1
    half = jnp.where(odd, x[:, HD:], x[:, :HD])
    y_ref[...] = half * dcol
    src = src_ref[...][0]
    dst = dst_ref[...][0]
    ga = (src & ~(BN - 1)) * 2 + (src & (BN - 1))
    a = ga.reshape(SB // 2, 2, 128)
    b = dst.reshape(SB // 2, 2, 128)
    pk = jnp.stack([jnp.concatenate([a, b], axis=1),
                    jnp.concatenate([a + BN, b], axis=1)], axis=0)
    g_ref[...] = pk.reshape(NC, 2 * SB, 128)


SB = (EPAD // 128) // GRID_N


@jax.jit
def _tc_prep(hist, xp, src2d, dst2d):
    return pl.pallas_call(
        _prep_body,
        grid=(2 * GRID_N,),
        in_specs=[
            pl.BlockSpec((NW, BN), lambda j: (0, j // 2)),
            pl.BlockSpec((BN, D), lambda j: (j // 2, 0)),
            pl.BlockSpec((1, SB, 128), lambda j: (0, j // 2, 0)),
            pl.BlockSpec((1, SB, 128), lambda j: (0, j // 2, 0)),
        ],
        out_specs=[
            pl.BlockSpec((BN, HD), lambda j: (j, 0)),
            pl.BlockSpec((BN, 1), lambda j: (j // 2, 0)),
            pl.BlockSpec((NC, 2 * SB, 128), lambda j: (0, j // 2, 0)),
        ],
        out_shape=[
            jax.ShapeDtypeStruct((2 * NP, HD), jnp.float32),
            jax.ShapeDtypeStruct((NP, 1), jnp.float32),
            jax.ShapeDtypeStruct((NC, 4 * NG, 128), jnp.int32),
        ],
    )(hist, xp, src2d, dst2d)


def _mid_body(acc_ref, d_ref, y_ref):
    a = acc_ref[...][0]
    d = d_ref[...]
    y_ref[...] = a * (d * d)


@jax.jit
def _tc_mid(acc, d):
    return pl.pallas_call(
        _mid_body,
        grid=(2 * GRID_N,),
        in_specs=[
            pl.BlockSpec((1, BN, HD), lambda j: (j % 2, j // 2, 0)),
            pl.BlockSpec((BN, 1), lambda j: (j // 2, 0)),
        ],
        out_specs=pl.BlockSpec((BN, HD), lambda j: (j, 0)),
        out_shape=jax.ShapeDtypeStruct((2 * NP, HD), jnp.float32),
    )(acc, d)


def _final_body(x_ref, a1_ref, a2_ref, d_ref, o_ref):
    a1 = a1_ref[...]
    a2 = a2_ref[...]
    e1 = jnp.concatenate([a1[0], a1[1]], axis=1)
    e2 = jnp.concatenate([a2[0], a2[1]], axis=1)
    d = d_ref[...]
    o_ref[...] = (x_ref[...] + d * e1 + d * e2) * (1.0 / 3.0)


BN2 = 2000


@jax.jit
def _tc_final(x, acc1, acc2, d):
    return pl.pallas_call(
        _final_body,
        grid=(N // BN2,),
        in_specs=[
            pl.BlockSpec((BN2, D), lambda i: (i, 0)),
            pl.BlockSpec((NC, BN2, HD), lambda i: (0, i, 0)),
            pl.BlockSpec((NC, BN2, HD), lambda i: (0, i, 0)),
            pl.BlockSpec((BN2, 1), lambda i: (i, 0)),
        ],
        out_specs=pl.BlockSpec((BN2, D), lambda i: (i, 0)),
        out_shape=jax.ShapeDtypeStruct((N, D), jnp.float32),
    )(x, acc1, acc2, d)


def kernel(x, edge_index):
    src = edge_index[0].astype(jnp.int32)
    dst = edge_index[1].astype(jnp.int32)
    srcp = jnp.concatenate([src, jnp.zeros((EPAD - E,), jnp.int32)])
    dstp = jnp.concatenate([dst, jnp.full((EPAD - E,), DUMP, jnp.int32)])
    src2d = srcp.reshape(1, EPAD // 128, 128)
    dst2d = dstp.reshape(1, EPAD // 128, 128)
    zblk = jnp.zeros((ZR, HD), jnp.float32)

    xp = jnp.concatenate(
        [x, jnp.zeros((NP - N, D), jnp.float32)], axis=0)
    hist = _sc_hist(dstp)
    y1, d, pk = _tc_prep(hist, xp, src2d, dst2d)
    acc1 = _sc_conv(y1, pk, zblk)
    y2 = _tc_mid(acc1, d)
    acc2 = _sc_conv(y2, pk, zblk)
    return _tc_final(x, acc1, acc2, d)

# --- scband reference (transcript-rebuilt; emitter-appended) ---
"""Pipeline reference for scband-light-gcn-68410239091164 (READ-ONLY COPY).

The authoritative reference and input builder live on the scoring server;
editing this copy changes nothing except your own understanding.
"""

import jax, jax.numpy as jnp
import numpy as np

N_NODES = 50000
N_EDGES = 800000
EMB_DIM = 64


def lgconv(x, edge_index):
    # PyG LGConv: symmetric GCN normalization without self loops, then
    # scatter-add aggregation: out[dst] += norm * x[src]
    src = edge_index[0]
    dst = edge_index[1]
    n = x.shape[0]
    deg = jax.ops.segment_sum(jnp.ones(src.shape[0], dtype=x.dtype), dst, num_segments=n)
    deg_inv_sqrt = jnp.where(deg > 0, deg ** -0.5, 0.0)
    norm = deg_inv_sqrt[src] * deg_inv_sqrt[dst]
    msgs = norm[:, None] * jnp.take(x, src, axis=0)
    return jax.ops.segment_sum(msgs, dst, num_segments=n)


def setup_inputs(seed: int = 0) -> dict:
    key = jax.random.key(seed)
    k1, k2 = jax.random.split(key)
    x = jax.random.normal(k1, (N_NODES, EMB_DIM), dtype=jnp.float32)
    edge_index = jax.random.randint(k2, (2, N_EDGES), 0, N_NODES, dtype=jnp.int64)
    return {"x": x, "edge_index": edge_index}


def reference(x, edge_index):
    # LightGCN forward: x given (bypasses self.emb), 2 LGConv layers,
    # output = mean over layer embeddings [e0, e1, e2]
    emb_0 = x
    emb_1 = lgconv(emb_0, edge_index)
    emb_2 = lgconv(emb_1, edge_index)
    all_embs = jnp.stack([emb_0, emb_1, emb_2], axis=1)
    out = jnp.mean(all_embs, axis=1)
    return out

if __name__ == "__main__":
    import jax
    _d = setup_inputs()
    print(jax.jit(kernel)(*tuple(_d.values())))

</pallas_src>

<mosaic_0001>
#map = affine_map<(d0, d1) -> (0)>
#map1 = affine_map<(d0, d1) -> (0, 0)>
module attributes {stable_mosaic.version = 14 : i64} {
  func.func @_hist_body(%arg0: i32, %arg1: i32, %arg2: memref<819200xi32, #tpu.memory_space<hbm>>, %arg3: memref<32x51200xf32, #tpu.memory_space<hbm>>, %arg4: memref<1024xi32, #tpu.memory_space<vmem>>, %arg5: memref<51200xf32, #tpu.memory_space<vmem>>) attributes {dimension_semantics = [#tpu.dimension_semantics<core_parallel>, #tpu.dimension_semantics<subcore_parallel>], iteration_bounds = array<i64: 2, 16>, scalar_prefetch = 0 : i64, scratch_operands = 2 : i64, tpu.core_type = #tpu.core_type<sc_vector_subcore>, window_params = [{transform_indices = #map}, {transform_indices = #map1}]} {
    %mul3A = arith.constant 16 : i32
    %mul3A_0 = arith.muli %arg0, %mul3A : i32
    %add3A = arith.addi %mul3A_0, %arg1 : i32
    %scan3A = arith.constant 0 : i32
    %scan3A_1 = arith.constant 3200 : i32
    %scan3A_2 = arith.addi %scan3A, %scan3A_1 : i32
    %scan3A_3 = arith.constant 1 : i32
    scf.for %scan3A_12 = %scan3A to %scan3A_2 step %scan3A_3  : i32 {
      %mul3A_13 = arith.constant 16 : i32
      %mul3A_14 = arith.muli %scan3A_12, %mul3A_13 : i32
      %add3A_15 = arith.constant 0 : i32
      %add3A_16 = arith.addi %add3A_15, %mul3A_14 : i32
      %broadcast_in_dim3A = arith.constant 0.000000e+00 : f32
      %broadcast_in_dim3A_17 = vector.broadcast %broadcast_in_dim3A : f32 to vector<16xf32>
      %swap3A = arith.index_cast %add3A_16 : i32 to index
      %swap3A_18 = tpu.vector_load %arg5[%swap3A] {strides = array<i32>} : memref<51200xf32, #tpu.memory_space<vmem>>, vector<16xf32>,
      tpu.vector_store %arg5[%swap3A], %broadcast_in_dim3A_17 {strides = array<i32>} : memref<51200xf32, #tpu.memory_space<vmem>>, vector<16xf32>,
    }
    %scan3A_4 = arith.constant 3200 : i32
    %mul3A_5 = arith.constant 25600 : i32
    %mul3A_6 = arith.muli %add3A, %mul3A_5 : i32
    %scan3A_7 = arith.constant 0 : i32
    %scan3A_8 = arith.constant 25 : i32
    %scan3A_9 = arith.addi %scan3A_7, %scan3A_8 : i32
    %scan3A_10 = arith.constant 1 : i32
    scf.for %scan3A_12 = %scan3A_7 to %scan3A_9 step %scan3A_10  : i32 {
      %mul3A_13 = arith.constant 1 : i32
      %mul3A_14 = arith.muli %scan3A_12, %mul3A_13 : i32
      %add3A_15 = arith.constant 0 : i32
      %add3A_16 = arith.addi %add3A_15, %mul3A_14 : i32
      %mul3A_17 = arith.constant 1024 : i32
      %mul3A_18 = arith.muli %add3A_16, %mul3A_17 : i32
      %add3A_19 = arith.addi %mul3A_6, %mul3A_18 : i32
      "tpu.region"() ({
        %run_scoped3A = tpu.sem_alloc : memref<!tpu.dma_semaphore, #tpu.memory_space<semaphore_mem>>
        %dma_start3A = tpu.memref_slice %arg2[%add3A_19] : memref<819200xi32, #tpu.memory_space<hbm>> -> memref<1024xi32, #tpu.memory_space<hbm>>
        %dma_start3A_25 = tpu.memref_slice %arg2[%add3A_19] : memref<819200xi32, #tpu.memory_space<hbm>> -> memref<1024xi32, #tpu.memory_space<hbm>>
        tpu.enqueue_dma source(%dma_start3A_25 : memref<1024xi32, #tpu.memory_space<hbm>>) target(%arg4 : memref<1024xi32, #tpu.memory_space<vmem>>) target_semaphore(%run_scoped3A : memref<!tpu.dma_semaphore, #tpu.memory_space<semaphore_mem>>)
        %dma_wait3A = tpu.memref_slice %arg2[%add3A_19] : memref<819200xi32, #tpu.memory_space<hbm>> -> memref<1024xi32, #tpu.memory_space<hbm>>
        %dma_wait3A_26 = tpu.memref_slice %arg2[%add3A_19] : memref<819200xi32, #tpu.memory_space<hbm>> -> memref<1024xi32, #tpu.memory_space<hbm>>
        tpu.wait_dma2 semaphore(%run_scoped3A : memref<!tpu.dma_semaphore, #tpu.memory_space<semaphore_mem>>) src(%dma_wait3A_26 : memref<1024xi32, #tpu.memory_space<hbm>>) dst(%arg4 : memref<1024xi32, #tpu.memory_space<vmem>>)
        tpu.yield
      }) : () -> ()
      %scan3A_20 = arith.constant 0 : i32
      %scan3A_21 = arith.constant 64 : i32
      %scan3A_22 = arith.addi %scan3A_20, %scan3A_21 : i32
      %scan3A_23 = arith.constant 1 : i32
      scf.for %scan3A_25 = %scan3A_20 to %scan3A_22 step %scan3A_23  : i32 {
        %mul3A_26 = arith.constant 16 : i32
        %mul3A_27 = arith.muli %scan3A_25, %mul3A_26 : i32
        %add3A_28 = arith.constant 0 : i32
        %add3A_29 = arith.addi %add3A_28, %mul3A_27 : i32
        %get3A = arith.index_cast %add3A_29 : i32 to index
        %get3A_30 = tpu.vector_load %arg4[%get3A] {strides = array<i32>} : memref<1024xi32, #tpu.memory_space<vmem>>, vector<16xi32>,
        %broadcast_in_dim3A = arith.constant 1.000000e+00 : f32
        %broadcast_in_dim3A_31 = vector.broadcast %broadcast_in_dim3A : f32 to vector<16xf32>
        tpu.vector_store_idx %arg5[%get3A_30], %broadcast_in_dim3A_31 {add = true} : memref<51200xf32, #tpu.memory_space<vmem>>[vector<16xi32>], vector<16xf32>,
      }
      %scan3A_24 = arith.constant 64 : i32
    }
    %scan3A_11 = arith.constant 25 : i32
    "tpu.region"() ({
      %run_scoped3A = tpu.sem_alloc : memref<!tpu.dma_semaphore, #tpu.memory_space<semaphore_mem>>
      %dma_start3A = arith.constant 0 : i32
      %dma_start3A_12 = tpu.memref_slice %arg3[%add3A, %dma_start3A] : memref<32x51200xf32, #tpu.memory_space<hbm>> -> memref<1x51200xf32, #tpu.memory_space<hbm>>
      %dma_start3A_13 = tpu.memref_squeeze %dma_start3A_12 : memref<1x51200xf32, #tpu.memory_space<hbm>> -> memref<51200xf32, #tpu.memory_space<hbm>>
      %dma_start3A_14 = arith.constant 0 : i32
      %dma_start3A_15 = tpu.memref_slice %arg3[%add3A, %dma_start3A_14] : memref<32x51200xf32, #tpu.memory_space<hbm>> -> memref<1x51200xf32, #tpu.memory_space<hbm>>
      %dma_start3A_16 = tpu.memref_squeeze %dma_start3A_15 : memref<1x51200xf32, #tpu.memory_space<hbm>> -> memref<51200xf32, #tpu.memory_space<hbm>>
      tpu.enqueue_dma source(%arg5 : memref<51200xf32, #tpu.memory_space<vmem>>) target(%dma_start3A_16 : memref<51200xf32, #tpu.memory_space<hbm>>) target_semaphore(%run_scoped3A : memref<!tpu.dma_semaphore, #tpu.memory_space<semaphore_mem>>)
      %dma_wait3A = arith.constant 0 : i32
      %dma_wait3A_17 = tpu.memref_slice %arg3[%add3A, %dma_wait3A] : memref<32x51200xf32, #tpu.memory_space<hbm>> -> memref<1x51200xf32, #tpu.memory_space<hbm>>
      %dma_wait3A_18 = tpu.memref_squeeze %dma_wait3A_17 : memref<1x51200xf32, #tpu.memory_space<hbm>> -> memref<51200xf32, #tpu.memory_space<hbm>>
      %dma_wait3A_19 = arith.constant 0 : i32
      %dma_wait3A_20 = tpu.memref_slice %arg3[%add3A, %dma_wait3A_19] : memref<32x51200xf32, #tpu.memory_space<hbm>> -> memref<1x51200xf32, #tpu.memory_space<hbm>>
      %dma_wait3A_21 = tpu.memref_squeeze %dma_wait3A_20 : memref<1x51200xf32, #tpu.memory_space<hbm>> -> memref<51200xf32, #tpu.memory_space<hbm>>
      tpu.wait_dma2 semaphore(%run_scoped3A : memref<!tpu.dma_semaphore, #tpu.memory_space<semaphore_mem>>) src(%arg5 : memref<51200xf32, #tpu.memory_space<vmem>>) dst(%dma_wait3A_21 : memref<51200xf32, #tpu.memory_space<hbm>>)
      tpu.yield
    }) : () -> ()
    return
  }
}

</mosaic_0001>

<sc_bundles>
// kernel: _sc_hist.3.cloned.1.call-start
scs
__scs_entry_jumppad:
0x0: {  	(pc) =	sbr.rel $0x88, $3  }
0x1: {  	(tag) =	ssettag $0x0;
	lr =	simm.s32 $0x1  }
0x2: {  	[smem:$0x3FA0] =	sst lr;
	_ =	strace $0xD0000000  }
0x3: {  	_ = 	snop  }
0x4: {  	_ = 	snop  }
0x5: {  	_ = 	snop  }
0x6: {  	_ = 	snop  }
0x7: {  	_ = 	snop  }
__scs_overlays_trampoline_lowered:
0x8: {  	[smem:$0x3FAF] =	sst s0  }
0x9: {  	[smem:$0x3FB0] =	sst s1  }
0xa: {  	[smem:$0x3FB1] =	sst s2  }
0xb: {  	[smem:$0x3FB2] =	sst s3  }
0xc: {  	[smem:$0x3FB3] =	sst s4  }
0xd: {  	[smem:$0x3FB4] =	sst s5  }
0xe: {  	[smem:$0x3FB5] =	sst s6  }
0xf: {  	[smem:$0x3FB6] =	sst s7  }
0x10: {  	[smem:$0x3FB7] =	sst s8  }
0x11: {  	[smem:$0x3FB8] =	sst s9;
	s0 =	simm.s32 @!p0 $0x0  }
0x12: {  	s1 =	sld [smem:$0x3F9E];
	s0 =	simm.s32 @p0 $0x1  }
0x13: {  	[smem:$0x3FB9] =	sst s0;
	s0 =	simm.s32 @!p1 $0x0  }
0x14: {  	s2 =	sld [smem:$0x3F9D];
	s0 =	simm.s32 @p1 $0x1  }
0x15: {  	[smem:$0x3FBA] =	sst s0;
	s0 =	simm.s32 @!p2 $0x0  }
0x16: {  	s3 =	sld [smem:$0x3FDB];
	s0 =	simm.s32 @p2 $0x1  }
0x17: {  	s4 =	simm.s32 $0x1BF5;
	[smem:$0x3FBC] =	sst s0  }
0x18: {  	s0 =	sld [smem:$0x3F9F];
	_ =	swait.ge [sflag:s4], $0x0  }
0x19: {  	s7 =	sld [smem:$0x3FA0]  }
0x1a: {  	s8 =	sadd.s32 $0xFFFFE003, lr  }
0x1b: {  	s9 =	sadd.s32 $0xFFFFFEF7, lr;
	s5 =	simm.s32 $0xFFFFFFFF;
	p2 =	slt.u32 s8, $0xFFFFF086  }
0x1c: {  	p1 =	slt.u32 s9, $0xF7A;
	s5 =	simm.s32 @!p2 $0x0  }
0x1d: {  	s5 =	simm.s32 @p1 $0x1;
	p0 =	seq.s32 s7, s2  }
0x1e: {  	s7 =	smul.u32 @!p0 $0xF7A, s2;
	p2 =	seq.s32 @!p0 s5, $0x0  }
0x1f: {  	s9 =	smul.u32 $0xF7A, s1;
	s8 =	simm.s32 @!p0 $0x1BF5;
	p2 =	por !p2, p0  }
0x20: {  	[sflag:s8] =	ssyncset.s32 @!p0 $0xFFFFF086;
	s6 =	sadd.s32 @!p0 s3, s7;
	s7 =	simm.s32 @!p0 $0x108  }
0x21: {  	s3 =	sadd.s32 s3, s9;
	s6 =	sadd.s32 @!p0 $0x88, s6;
	s7 =	simm.s32 @p2 $0x1082  }
0x22: {  	[simem:s7], [sflag:s8] =	dma.local @!p0 [hbm:s6], $0xF7A  }
0x23: {  	s9 =	sor.u32 $0xD0000000, s2;
	s6 =	simm.s32 $0x108;
	_ =	swait.ge @!p0 [sflag:s8], $0x0  }
0x24: {  	s3 =	sadd.s32 $0x88, s3;
	s6 =	simm.s32 @!p1 $0x1082;
	[sflag:s4] =	ssyncset.s32 $0xFFFFF086  }
0x25: {  	[simem:s6], [sflag:s4] =	dma.local [hbm:s3], $0xF7A  }
0x26: {  	[smem:$0x3FA0] =	sst s1;
	(tag) =	ssettag s2;
	_ =	strace s9  }
0x27: {  	s1 =	sld [smem:$0x3FB0]  }
0x28: {  	s2 =	sld [smem:$0x3FB1]  }
0x29: {  	s4 =	sld [smem:$0x3FB3]  }
0x2a: {  	p0 =	seq.s32 s5, $0x0;
	s5 =	sld [smem:$0x3FB4]  }
0x2b: {  	s6 =	sld [smem:$0x3FB5]  }
0x2c: {  	s7 =	sld [smem:$0x3FB6]  }
0x2d: {  	s3 =	simm.s32 $0x108;
	s8 =	sld [smem:$0x3FB7]  }
0x2e: {  	s3 =	simm.s32 @!p0 $0x1082;
	s9 =	sld [smem:$0x3FB8]  }
0x2f: {  	lr =	sadd.s32 s0, s3;
	s0 =	sld [smem:$0x3FAF]  }
0x30: {  	s3 =	sld [smem:$0x3FB2]  }
0x31: {  	[smem:$0x3FBB] =	sst s10  }
0x32: {  	s10 =	sld [smem:$0x3FB9];
	_ =	sdelay $0x3  }
0x33: {  	p0 =	seq.s32 s10, $0x1;
	s10 =	sld [smem:$0x3FBB];
	_ =	sdelay $0x3  }
0x34: {  	[smem:$0x3FBB] =	sst s10  }
0x35: {  	s10 =	sld [smem:$0x3FBA];
	_ =	sdelay $0x3  }
0x36: {  	p1 =	seq.s32 s10, $0x1;
	s10 =	sld [smem:$0x3FBB];
	_ =	sdelay $0x3  }
0x37: {  	[smem:$0x3FBB] =	sst s10  }
0x38: {  	s10 =	sld [smem:$0x3FBC]  }
0x39: {  	_ = 	snop;
	(pc) =	sbr.ind lr, $3  }
0x3a: {  	_ = 	snop  }
0x3b: {  	_ = 	snop  }
0x3c: {  	p2 =	seq.s32 s10, $0x1;
	s10 =	sld [smem:$0x3FBB]  }
0x3d: {  	_ =	shalt  }
0x3e: {  	_ =	shalt  }
0x3f: {  	_ =	shalt  }
0x40: {  	_ =	shalt  }
0x41: {  	_ =	shalt  }
0x42: {  	_ =	shalt  }
0x43: {  	_ =	shalt  }
0x44: {  	_ =	shalt  }
0x45: {  	_ =	shalt  }
0x46: {  	_ =	shalt  }
0x47: {  	_ =	shalt  }
0x48: {  	_ =	shalt  }
0x49: {  	_ =	shalt  }
0x4a: {  	_ =	shalt  }
0x4b: {  	_ =	shalt  }
0x4c: {  	_ =	shalt  }
0x4d: {  	_ =	shalt  }
0x4e: {  	_ =	shalt  }
0x4f: {  	_ =	shalt  }
0x50: {  	_ =	shalt  }
0x51: {  	_ =	shalt  }
0x52: {  	_ =	shalt  }
0x53: {  	_ =	shalt  }
0x54: {  	_ =	shalt  }
0x55: {  	_ =	shalt  }
0x56: {  	_ =	shalt  }
0x57: {  	_ =	shalt  }
0x58: {  	_ =	shalt  }
0x59: {  	_ =	shalt  }
0x5a: {  	_ =	shalt  }
0x5b: {  	_ =	shalt  }
0x5c: {  	_ =	shalt  }
0x5d: {  	_ =	shalt  }
0x5e: {  	_ =	shalt  }
0x5f: {  	_ =	shalt  }
0x60: {  	_ =	shalt  }
0x61: {  	_ =	shalt  }
0x62: {  	_ =	shalt  }
0x63: {  	_ =	shalt  }
0x64: {  	_ =	shalt  }
0x65: {  	_ =	shalt  }
0x66: {  	_ =	shalt  }
0x67: {  	_ =	shalt  }
0x68: {  	_ =	shalt  }
0x69: {  	_ =	shalt  }
0x6a: {  	_ =	shalt  }
0x6b: {  	_ =	shalt  }
0x6c: {  	_ =	shalt  }
0x6d: {  	_ =	shalt  }
0x6e: {  	_ =	shalt  }
0x6f: {  	_ =	shalt  }
0x70: {  	_ =	shalt  }
0x71: {  	_ =	shalt  }
0x72: {  	_ =	shalt  }
0x73: {  	_ =	shalt  }
0x74: {  	_ =	shalt  }
0x75: {  	_ =	shalt  }
0x76: {  	_ =	shalt  }
0x77: {  	_ =	shalt  }
0x78: {  	_ =	shalt  }
0x79: {  	_ =	shalt  }
0x7a: {  	_ =	shalt  }
0x7b: {  	_ =	shalt  }
0x7c: {  	_ =	shalt  }
0x7d: {  	_ =	shalt  }
0x7e: {  	_ =	shalt  }
0x7f: {  	_ =	shalt  }
0x80: {  	_ =	shalt  }
0x81: {  	_ =	shalt  }
0x82: {  	_ =	shalt  }
0x83: {  	_ =	shalt  }
0x84: {  	_ =	shalt  }
0x85: {  	_ =	shalt  }
0x86: {  	_ =	shalt  }
0x87: {  	_ =	shalt  }
.Lfunc_end0:
.L_simem_size_0:
called_computation_lowered:
.L_overlay_start_0:
0x88: {  	s2 =	sld [smem:$0x3FD9]  }
0x89: {  	s3 =	sld [smem:$0x3FFE];
	_ =	sdelay $0x1  }
0x8a: {  	s1 =	srdreg.scid  }
0x8b: {  	s0 =	sand.u32 $0x1, s1  }
0x8c: {  	s17 =	sshll.u32 s0, $0xA;
	s2 =	sadd.s32 s3, s2  }
0x8d: {  	s2 =	sadd.s32 s2, s17  }
0x8e: {  	[smem:$0x3FC7] =	sst s2  }
0x8f: {  	_ = 	snop  }
0x90: {  	s2 =	sld [smem:$0x3FC9];
	(tm) =	ssettm $0x1  }
0x91: {  	s18 =	sld [smem:$0x3FFB];
	_ =	sdelay $0x3  }
0x92: {  	_ =	strace s18  }
0x93: {  	s3 =	sld [smem:$0x3FFC];
	_ =	sdelay $0x3  }
0x94: {  	_ =	strace s3  }
0x95: {  	s3 =	sld [smem:$0x3FFD];
	_ =	sdelay $0x3  }
0x96: {  	_ =	strace s3  }
0x97: {  	_ =	strace $0x8FFFFFFF  }
0x98: {  	s19 =	sld [smem:$0x3FDB];
	_ =	sdelay $0x1  }
0x99: {  	s4 =	simm.s32 $_scs_section_size  }
0x9a: {  	s5 =	simm.s32 $_size__tile_overlayer_lowered;
	s6 =	simm.s32 $_tile_overlayer_lowered  }
0x9b: {  	s22 =	simm.s32 $0x1BFF;
	s21 =	sshll.u32 s6, $0x1;
	s3 =	sadd.s32 s4, s19  }
0x9c: {  	s7 =	simm.s32 $0x0;
	s20 =	sshll.u32 s5, $0x1;
	s5 =	sadd.s32 s21, s3  }
0x9d: {  	[timem:s7], [sflag:s22] =	dma.local [hbm:s5], s20  }
0x9e: {  	_ =	swait.ge [sflag:s22], s20  }
0x9f: {  	s4 =	ssub.s32 $0x0, s20;
	[sflag:s22] =	ssyncset.done $0x0  }
0xa0: {  	[sflag:s22] =	ssyncadd.s32 s4;
	_ =	sdelay $0x1  }
0xa1: {  	s23 =	simm.s32 $0x1B8B  }
0xa2: {  	_ =	swait.ge [sflag:s23], $0x1  }
0xa3: {  	[sflag:s23] =	ssyncset.done $0x0  }
0xa4: {  	s25 =	simm.s32 $0x1B8E;
	s24 =	sld [smem:$0x3FFE];
	[sflag:s23] =	ssyncadd.s32 $0xFFFFFFFF  }
0xa5: {  	s26 =	simm.s32 $execute0_lowered;
	[smem:$0x3FD2] =	sst s25  }
0xa6: {  	s5 =	sshll.u32 s26, $0x1;
	_ =	strace $0x80000046;
	[dreg:$0x1] =	wrdreg $0xFFFFFFFF  }
0xa7: {  	s28 =	simm.s32 $_size_execute0_lowered;
	s3 =	sadd.s32 s3, s5;
	[dreg:$0x0] =	wrdreg $0x0  }
0xa8: {  	s5 =	sshll.u32 s28, $0x1;
	[dreg:$0x2] =	wrdreg s3  }
0xa9: {  	[dreg:$0x3] =	wrdreg s5  }
0xaa: {  	[dreg:$0x4] =	wrdreg $0xC0  }
0xab: {  	_ =	task [dreg:s7], $0x5FFFF  }
0xac: {  	[dreg:$0x1] =	wrdreg $0xFFFFFFFF  }
0xad: {  	[dreg:$0x0] =	wrdreg $0x60  }
0xae: {  	[dreg:$0x2] =	wrdreg s2  }
0xaf: {  	[dreg:$0x3] =	wrdreg s24  }
0xb0: {  	[dreg:$0x4] =	wrdreg $0x9  }
0xb1: {  	_ =	task.clear_ibuf [dreg:s7], $0x5FFFF;
	_ =	strace $0x90000046  }
0xb2: {  	s29 =	simm.s32 $0x9;
	_ =	strace $0x80000048  }
0xb3: {  	_ =	swait.ge [sflag:s29], $0x1  }
0xb4: {  	[sflag:s29] =	ssyncadd.s32 $0xFFFFFFFF  }
0xb5: {  	_ =	strace $0x90000048  }
0xb6: {  	_ =	sfence  }
0xb7: {  	s30 =	sld [smem:$0x0];
	_ =	sdelay $0x2  }
0xb8: {  	s31 =	sshll.u32 s1, $0xD;
	s1 =	sshrl.u32 s1, $0x2  }
0xb9: {  	s3 =	sand.u32 $0x4000, s31;
	s1 =	sadd.s32 s1, s30  }
0xba: {  	s0 =	sor.u32 s3, s0;
	s1 =	sshll.u32 s1, $0x11  }
0xbb: {  	s0 =	sor.u32 s1, s0  }
0xbc: {  	s0 =	sadd.s32 $0x8F2B, s0  }
0xbd: {  	[sflag:s0] =	ssyncadd.remote.s32 $0x1  }
0xbe: {  	_ =	sfence.sel $0xFFFF  }
0xbf: {  	[dreg:$0x0] =	wrdreg $0xFFFFFFFF;
	(pc) =	sbr.abs _section_cstart, $3  }
0xc0: {  	[dreg:$0x1] =	wrdreg $0xFFFFFFFF  }
0xc1: {  	_ =	task.clear_ibuf [dreg:s7], $0x2FFFF;
	_ =	strace $0x9FFFFFFF  }
0xc2: {  	(tm) =	ssettm $0x7FFFFFFF  }
0xc3: {  	_ =	shalt  }
tec
execute0_lowered:
.L_overlay_start_1:
0x0: {  	(tag) =	ssettag $0x1  }
0x1: {  	s0 =	srdreg.scid;
	s2 =	rddreg [dreg:$0x0]  }
0x2: {  	s5 =	rddreg [dreg:$0x1];
	s4 =	sand.u32 $0x1, s0  }
0x3: {  	s1 =	stileid.u32;
	s9 =	simm.s32 $0x0;
	s3 =	sshll.u32 s4, $0x4  }
0x4: {  	s0 =	rddreg [dreg:$0x2];
	s4 =	ssub.s32 $0x2, s4;
	s6 =	sor.u32 s1, s3  }
0x5: {  	s3 =	simm.s32 $0x0;
	s8 =	sshrl.u32 s4, $0x1;
	s7 =	smul.u32 $0x1900, s6  }
0x6: {  	[smem:$0x7FF] =	sst s3;
	s31 =	ssub.s32 s4, s8;
	s4 =	smul.u32 $0x6400, s6  }
0x7: {  	s8 =	simm.s32 $0x400;
	_ =	strace $0x80000047;
	s5 =	sadd.s32 s7, s5  }
0x8: {  	v0 =	vimm.f32 $0.0e+00;
	v1 =	vimm.f32 $1.000000000e+00;
	s6 =	smax.u32 s31, $0x1;
	s7 =	simm.s32 $0x1;
	s5 =	sadd.s32 $0x400, s5  }
.LBB2_1:
0x9: {  	s10 =	simm.s32 $0x40;
	s11 =	simm.s32 $0x0  }
.LBB2_2:
0xa: {  	p0 =	sne.s32 s10, $0x31FC0;
	[tilespmem:s11+$0x400] =	vst v0;
	s11 =	smov.u32 s10;
	s10 =	sadd.s32 $0x40, s10  }
.Ltmp0:
0xb: {  	(pc) =	sbr.rel @p0 .LBB2_2-.Ltmp0, $2  }
0xc: {  	_ =	sdelay $0x2  }
0xd: {  	s11 =	sshra.s32 s11, $0x2  }
0xe: {  	[tilespmem:s11+$0x400] =	vst v0;
	s10 =	simm.s32 $0x0;
	s11 =	simm.s32 $0x0  }
.LBB2_4:
0xf: {  	s12 =	sshll.u32 s11, $0xA  }
0x10: {  	s12 =	sadd.s32 s4, s12  }
0x11: {  	s12 =	sshrl.u32 s12, $0x3  }
0x12: {  	s12 =	sadd.s32 s2, s12  }
0x13: {  	[tilespmem:s10], [sflag:$0x1] =	stream.linear.gather [hbm4b:s12+s10], $0x400, $0x38;
	[tilespmem:$0xCC00] =	vst v63  }
0x14: {  	_ =	swait.ge [sflag:s7], $0x400  }
0x15: {  	[sflag:s7] =	ssyncset.done $0x0  }
0x16: {  	s13 =	simm.s32 $0x0;
	s12 =	simm.s32 $0x40;
	[sflag:s7] =	ssyncadd.s32 $0xFFFFFC00  }
.LBB2_5:
0x17: {  	p0 =	sne.s32 s12, $0xFC0;
	v2 =	vld [tilespmem:s13+$0x0];
	_ =	sdelay $0x3  }
.Ltmp1:
0x18: {  	(pc) =	sbr.rel @p0 .LBB2_5-.Ltmp1, $2  }
0x19: {  	_ =	sdelay $0x2  }
0x1a: {  	s13 =	sshra.s32 s12, $0x2;
	s12 =	sadd.s32 $0x40, s12;
	[tilespmem:v2+s8+$0x0] =	vst.idx.add.f32.msk $0xffff, v1  }
0x1b: {  	v2 =	vld [tilespmem:s13+$0x0];
	_ =	sdelay $0x1  }
0x1c: {  	s11 =	sadd.s32 $0x1, s11  }
0x1d: {  	p0 =	sne.s32 s11, $0x19  }
.Ltmp2:
0x1e: {  	_ = 	snop;
	(pc) =	sbr.rel @p0 .LBB2_4-.Ltmp2, $2  }
0x1f: {  	_ =	sdelay $0x2  }
0x20: {  	[tilespmem:v2+s8+$0x0] =	vst.idx.add.f32.msk $0xffff, v1  }
0x21: {  	s9 =	sadd.s32 $0x1, s9  }
0x22: {  	p0 =	sne.s32 s9, s6  }
.Ltmp3:
0x23: {  	_ = 	snop;
	(pc) =	sbr.rel @p0 .LBB2_1-.Ltmp3, $4  }
0x24: {  	[hbm4b:s5+s3] =	stream.linear.scatter [tilespmem:s8], [sflag:$0x1], $0xC800, $0x38;
	[tilespmem:$0xCC00] =	vst v63  }
0x25: {  	_ =	swait.ge [sflag:s7], $0xC800  }
0x26: {  	[sflag:s7] =	ssyncset.done $0x0  }
0x27: {  	[sflag:s7] =	ssyncadd.s32 $0xFFFF3800  }
0x28: {  	_ =	sfence.sel $0x180000  }
0x29: {  	[bflag:$0x0] =	sbarrier.arrive $0xFFFF  }
0x2a: {  	p0 =	sne.s32 s1, $0x0;
	_ =	strace $0x90000047  }
0x2b: {  	s0 =	sadd.s32 @!p0 $0x100000, s0;
	[bflag:$0x2] =	sbarrier.arrive $0xFFFF  }
0x2c: {  	[sflag:s0] =	ssyncadd.tile.s32 @!p0 $0x1;
	_ =	shalt  }
.Lfunc_end2:
_tile_overlayer_lowered:
.L_overlay_start_2:
0x2d: {  	(tag) =	ssettag $0x2  }
0x2e: {  	s0 =	rddreg [dreg:$0x0];
	s2 =	stileid.u32  }
0x2f: {  	s1 =	rddreg [dreg:$0x1];
	p0 =	sne.s32 s2, $0x0  }
0x30: {  	s3 =	rddreg [dreg:$0x2];
	[bflag:$0x3] =	sbarrier.arrive $0xFFFF;
	s2 =	simm.s32 @!p0 $0x1C01  }
0x31: {  	[timem:s3], [sflag:s2] =	dma.local @!p0 [hbm:s0], s1  }
0x32: {  	s0 =	simm.s32 @!p0 $0x1  }
0x33: {  	_ =	swait.ge @!p0 [sflag:s0], s1  }
0x34: {  	s1 =	ssub.s32 @!p0 $0x0, s1;
	[sflag:s0] =	ssyncset.done @!p0 $0x0  }
0x35: {  	[sflag:s0] =	ssyncadd.s32 @!p0 s1  }
0x36: {  	[bflag:$0x3] =	sbarrier.arrive $0xFFFF  }
0x37: {  	_ =	shalt  }

</sc_bundles>
